<compile_context>
chip_gen: v7x
topology: tpu7x:2x2x1
jax: 0.10.2.dev20260603
libtpu: 0.0.44.dev20260713+nightly
codegen_flags: <defaults>
</compile_context>

<pallas_src>
import functools

import jax
import jax.numpy as jnp
from jax import lax
from jax.experimental import pallas as pl
from jax.experimental.pallas import tpu as pltpu
from jax.experimental.pallas import tpu_sc as plsc

NUM_E = 1024
DIM = 64


_N_BLOCKS = 4


def _argmin_body(x_ref, e_ref, idx_ref):
    x = x_ref[...]
    e = e_ref[...]
    em2 = e * -2.0
    d = lax.dot_general(em2, x, dimension_numbers=(((1,), (1,)), ((), ())),
                        preferred_element_type=jnp.float32)
    e2 = jnp.sum(e * e, axis=1, keepdims=True)
    scores = e2 + d
    mins = jnp.min(scores, axis=0, keepdims=True)
    ids = lax.broadcasted_iota(jnp.int32, scores.shape, 0)
    masked = jnp.where(scores == mins, ids, jnp.int32(NUM_E))
    idx_ref[0, 0, :] = jnp.min(masked, axis=0)


def _tc_argmin(x, emb):
    n = x.shape[0]
    bm = n // _N_BLOCKS
    idx = pl.pallas_call(
        _argmin_body,
        grid=(_N_BLOCKS,),
        in_specs=[
            pl.BlockSpec((bm, DIM), lambda i: (i, 0)),
            pl.BlockSpec((NUM_E, DIM), lambda i: (0, 0)),
        ],
        out_specs=pl.BlockSpec((1, 1, bm), lambda i: (i, 0, 0)),
        out_shape=jax.ShapeDtypeStruct((_N_BLOCKS, 1, bm), jnp.int32),
    )(x, emb)
    return idx.reshape(-1)




def _make_sc_gather(n_tokens):
    info = plsc.get_sparse_core_info()
    nc, ns, lanes = info.num_cores, info.num_subcores, info.num_lanes
    nw = nc * ns
    assert n_tokens % nw == 0
    bpw = n_tokens // nw
    mesh = plsc.VectorSubcoreMesh(core_axis_name="c", subcore_axis_name="s")

    @functools.partial(
        pl.kernel, mesh=mesh,
        compiler_params=pltpu.CompilerParams(use_tc_tiling_on_sc=False),
        out_type=jax.ShapeDtypeStruct((n_tokens, DIM), jnp.float32),
        scratch_types=[
            pltpu.VMEM((bpw,), jnp.int32),
            pltpu.VMEM((bpw, DIM), jnp.float32),
            pltpu.VMEM((bpw, DIM), jnp.float32),
            pltpu.SemaphoreType.DMA,
        ],
    )
    def sc_gather(x_hbm, idx_hbm, table_hbm, out_hbm, idx_v, g_v, x_v, sem):
        wid = lax.axis_index("s") * nc + lax.axis_index("c")
        base = wid * bpw
        pltpu.sync_copy(idx_hbm.at[pl.ds(base, bpw)], idx_v)
        gather = pltpu.async_copy(table_hbm.at[idx_v], g_v, sem)
        pltpu.sync_copy(x_hbm.at[pl.ds(base, bpw)], x_v)
        gather.wait()

        def body(i, carry):
            for j in range(DIM // lanes):
                sl = pl.ds(j * lanes, lanes)
                g = g_v[i, sl]
                xv = x_v[i, sl]
                x_v[i, sl] = g + (xv - g)
            return carry

        lax.fori_loop(0, bpw, body, 0)
        pltpu.sync_copy(x_v, out_hbm.at[pl.ds(base, bpw)])

    return sc_gather




def kernel(inputs, embedding):
    shape = inputs.shape
    x = inputs.reshape(-1, DIM)
    idx = _tc_argmin(x, embedding)
    out = _make_sc_gather(x.shape[0])(x, idx, embedding)
    return out.reshape(shape)

# --- scband reference (transcript-rebuilt; emitter-appended) ---
"""Pipeline reference for scband-vqlayer-31748398252207 (READ-ONLY COPY).

The authoritative reference and input builder live on the scoring server;
editing this copy changes nothing except your own understanding.
"""

import jax, jax.numpy as jnp
import numpy as np

NUM_EMBEDDINGS = 1024
EMBEDDING_DIM = 64


def setup_inputs(seed: int = 0) -> dict:
    key = jax.random.key(seed)
    k1, k2 = jax.random.split(key)
    inputs = jax.random.normal(k1, (16, 576, EMBEDDING_DIM), dtype=jnp.float32)
    # glorot_uniform for (num_embeddings, embedding_dim)
    limit = float(np.sqrt(6.0 / (NUM_EMBEDDINGS + EMBEDDING_DIM)))
    embedding = jax.random.uniform(k2, (NUM_EMBEDDINGS, EMBEDDING_DIM), dtype=jnp.float32, minval=-limit, maxval=limit)
    return {"inputs": inputs, "embedding": embedding}


def reference(inputs, embedding):
    embedding_dim = embedding.shape[1]
    flat_inputs = inputs.reshape(-1, embedding_dim)
    # squared L2 distances: sum((x - e)^2) = |x|^2 - 2 x.e + |e|^2 (same math as
    # the broadcasted tf.reduce_sum(tf.square(x[:,None,:] - E), axis=2))
    distances = (
        jnp.sum(flat_inputs * flat_inputs, axis=1, keepdims=True)
        - 2.0 * (flat_inputs @ embedding.T)
        + jnp.sum(embedding * embedding, axis=1)[None, :]
    )
    embedding_indices = jnp.argmin(distances, axis=1)
    embedding_indices = embedding_indices.reshape(inputs.shape[:-1])
    closest_embeddings = jnp.take(embedding, embedding_indices, axis=0)
    quantized = closest_embeddings + jax.lax.stop_gradient(inputs - closest_embeddings)
    return quantized

if __name__ == "__main__":
    import jax
    _d = setup_inputs()
    print(jax.jit(kernel)(*tuple(_d.values())))

</pallas_src>

<mosaic_0001>
#map = affine_map<(d0, d1) -> (0, 0)>
#map1 = affine_map<(d0, d1) -> (0)>
module attributes {stable_mosaic.version = 14 : i64} {
  func.func @sc_gather(%arg0: i32, %arg1: i32, %arg2: memref<9216x64xf32, #tpu.memory_space<hbm>>, %arg3: memref<9216xi32, #tpu.memory_space<hbm>>, %arg4: memref<1024x64xf32, #tpu.memory_space<hbm>>, %arg5: memref<9216x64xf32, #tpu.memory_space<hbm>>, %arg6: memref<288xi32, #tpu.memory_space<vmem>>, %arg7: memref<288x64xf32, #tpu.memory_space<vmem>>, %arg8: memref<288x64xf32, #tpu.memory_space<vmem>>, %arg9: memref<!tpu.dma_semaphore, #tpu.memory_space<semaphore_mem>>) attributes {dimension_semantics = [#tpu.dimension_semantics<core_parallel>, #tpu.dimension_semantics<subcore_parallel>], iteration_bounds = array<i64: 2, 16>, scalar_prefetch = 0 : i64, scratch_operands = 4 : i64, tpu.core_type = #tpu.core_type<sc_vector_subcore>, window_params = [{transform_indices = #map}, {transform_indices = #map1}, {transform_indices = #map}, {transform_indices = #map}]} {
    %mul3A = arith.constant 2 : i32
    %mul3A_0 = arith.muli %arg1, %mul3A : i32
    %add3A = arith.addi %mul3A_0, %arg0 : i32
    %mul3A_1 = arith.constant 288 : i32
    %mul3A_2 = arith.muli %add3A, %mul3A_1 : i32
    "tpu.region"() ({
      %run_scoped3A = tpu.sem_alloc : memref<!tpu.dma_semaphore, #tpu.memory_space<semaphore_mem>>
      %dma_start3A_12 = tpu.memref_slice %arg3[%mul3A_2] : memref<9216xi32, #tpu.memory_space<hbm>> -> memref<288xi32, #tpu.memory_space<hbm>>
      %dma_start3A_13 = tpu.memref_slice %arg3[%mul3A_2] : memref<9216xi32, #tpu.memory_space<hbm>> -> memref<288xi32, #tpu.memory_space<hbm>>
      tpu.enqueue_dma source(%dma_start3A_13 : memref<288xi32, #tpu.memory_space<hbm>>) target(%arg6 : memref<288xi32, #tpu.memory_space<vmem>>) target_semaphore(%run_scoped3A : memref<!tpu.dma_semaphore, #tpu.memory_space<semaphore_mem>>)
      %dma_wait3A_14 = tpu.memref_slice %arg3[%mul3A_2] : memref<9216xi32, #tpu.memory_space<hbm>> -> memref<288xi32, #tpu.memory_space<hbm>>
      %dma_wait3A_15 = tpu.memref_slice %arg3[%mul3A_2] : memref<9216xi32, #tpu.memory_space<hbm>> -> memref<288xi32, #tpu.memory_space<hbm>>
      tpu.wait_dma2 semaphore(%run_scoped3A : memref<!tpu.dma_semaphore, #tpu.memory_space<semaphore_mem>>) src(%dma_wait3A_15 : memref<288xi32, #tpu.memory_space<hbm>>) dst(%arg6 : memref<288xi32, #tpu.memory_space<vmem>>)
      tpu.yield
    }) : () -> ()
    %dma_start3A = arith.constant 0 : i32
    %dma_start3A_3 = arith.constant 0 : i32
    %dma_start3A_4 = tpu.memref_slice %arg4[%dma_start3A, %dma_start3A_3] : memref<1024x64xf32, #tpu.memory_space<hbm>> -> memref<1024x64xf32, #tpu.memory_space<hbm>>
    tpu.enqueue_indirect_dma source(%dma_start3A_4 : memref<1024x64xf32, #tpu.memory_space<hbm>>) target(%arg7 : memref<288x64xf32, #tpu.memory_space<vmem>>) offsets(%arg6 : memref<288xi32, #tpu.memory_space<vmem>>) semaphore(%arg9 : memref<!tpu.dma_semaphore, #tpu.memory_space<semaphore_mem>>)
    "tpu.region"() ({
      %run_scoped3A = tpu.sem_alloc : memref<!tpu.dma_semaphore, #tpu.memory_space<semaphore_mem>>
      %dma_start3A_12 = arith.constant 0 : i32
      %dma_start3A_13 = tpu.memref_slice %arg2[%mul3A_2, %dma_start3A_12] : memref<9216x64xf32, #tpu.memory_space<hbm>> -> memref<288x64xf32, #tpu.memory_space<hbm>>
      %dma_start3A_14 = arith.constant 0 : i32
      %dma_start3A_15 = tpu.memref_slice %arg2[%mul3A_2, %dma_start3A_14] : memref<9216x64xf32, #tpu.memory_space<hbm>> -> memref<288x64xf32, #tpu.memory_space<hbm>>
      tpu.enqueue_dma source(%dma_start3A_15 : memref<288x64xf32, #tpu.memory_space<hbm>>) target(%arg8 : memref<288x64xf32, #tpu.memory_space<vmem>>) target_semaphore(%run_scoped3A : memref<!tpu.dma_semaphore, #tpu.memory_space<semaphore_mem>>)
      %dma_wait3A_16 = arith.constant 0 : i32
      %dma_wait3A_17 = tpu.memref_slice %arg2[%mul3A_2, %dma_wait3A_16] : memref<9216x64xf32, #tpu.memory_space<hbm>> -> memref<288x64xf32, #tpu.memory_space<hbm>>
      %dma_wait3A_18 = arith.constant 0 : i32
      %dma_wait3A_19 = tpu.memref_slice %arg2[%mul3A_2, %dma_wait3A_18] : memref<9216x64xf32, #tpu.memory_space<hbm>> -> memref<288x64xf32, #tpu.memory_space<hbm>>
      tpu.wait_dma2 semaphore(%run_scoped3A : memref<!tpu.dma_semaphore, #tpu.memory_space<semaphore_mem>>) src(%dma_wait3A_19 : memref<288x64xf32, #tpu.memory_space<hbm>>) dst(%arg8 : memref<288x64xf32, #tpu.memory_space<vmem>>)
      tpu.yield
    }) : () -> ()
    %dma_wait3A = arith.constant 0 : i32
    %dma_wait3A_5 = arith.constant 0 : i32
    %dma_wait3A_6 = tpu.memref_slice %arg4[%dma_wait3A, %dma_wait3A_5] : memref<1024x64xf32, #tpu.memory_space<hbm>> -> memref<1024x64xf32, #tpu.memory_space<hbm>>
    tpu.wait_indirect_dma semaphore(%arg9 : memref<!tpu.dma_semaphore, #tpu.memory_space<semaphore_mem>>) src(%dma_wait3A_6 : memref<1024x64xf32, #tpu.memory_space<hbm>>) dst(%arg7 : memref<288x64xf32, #tpu.memory_space<vmem>>)
    %scan3A = arith.constant 0 : i32
    %scan3A_7 = arith.constant 0 : i32
    %scan3A_8 = arith.constant 288 : i32
    %scan3A_9 = arith.addi %scan3A_7, %scan3A_8 : i32
    %scan3A_10 = arith.constant 1 : i32
    scf.for %scan3A_12 = %scan3A_7 to %scan3A_9 step %scan3A_10  : i32 {
      %get3A = arith.index_cast %scan3A_12 : i32 to index
      %get3A_13 = arith.constant 0 : index
      %get3A_14 = tpu.vector_load %arg7[%get3A, %get3A_13] {strides = array<i32>} : memref<288x64xf32, #tpu.memory_space<vmem>>, vector<1x16xf32>,
      %get3A_15 = vector.shape_cast %get3A_14 : vector<1x16xf32> to vector<16xf32>
      %get3A_16 = arith.index_cast %scan3A_12 : i32 to index
      %get3A_17 = arith.constant 0 : index
      %get3A_18 = tpu.vector_load %arg8[%get3A_16, %get3A_17] {strides = array<i32>} : memref<288x64xf32, #tpu.memory_space<vmem>>, vector<1x16xf32>,
      %get3A_19 = vector.shape_cast %get3A_18 : vector<1x16xf32> to vector<16xf32>
      %sub3A = arith.subf %get3A_19, %get3A_15 : vector<16xf32>
      %add3A_20 = arith.addf %get3A_15, %sub3A : vector<16xf32>
      %swap3A = arith.index_cast %scan3A_12 : i32 to index
      %swap3A_21 = arith.constant 0 : index
      %swap3A_22 = tpu.vector_load %arg8[%swap3A, %swap3A_21] {strides = array<i32>} : memref<288x64xf32, #tpu.memory_space<vmem>>, vector<1x16xf32>,
      %swap3A_23 = vector.shape_cast %swap3A_22 : vector<1x16xf32> to vector<16xf32>
      %swap3A_24 = vector.shape_cast %add3A_20 : vector<16xf32> to vector<1x16xf32>
      tpu.vector_store %arg8[%swap3A, %swap3A_21], %swap3A_24 {strides = array<i32>} : memref<288x64xf32, #tpu.memory_space<vmem>>, vector<1x16xf32>,
      %get3A_25 = arith.index_cast %scan3A_12 : i32 to index
      %get3A_26 = arith.constant 16 : index
      %get3A_27 = tpu.vector_load %arg7[%get3A_25, %get3A_26] {strides = array<i32>} : memref<288x64xf32, #tpu.memory_space<vmem>>, vector<1x16xf32>,
      %get3A_28 = vector.shape_cast %get3A_27 : vector<1x16xf32> to vector<16xf32>
      %get3A_29 = arith.index_cast %scan3A_12 : i32 to index
      %get3A_30 = arith.constant 16 : index
      %get3A_31 = tpu.vector_load %arg8[%get3A_29, %get3A_30] {strides = array<i32>} : memref<288x64xf32, #tpu.memory_space<vmem>>, vector<1x16xf32>,
      %get3A_32 = vector.shape_cast %get3A_31 : vector<1x16xf32> to vector<16xf32>
      %sub3A_33 = arith.subf %get3A_32, %get3A_28 : vector<16xf32>
      %add3A_34 = arith.addf %get3A_28, %sub3A_33 : vector<16xf32>
      %swap3A_35 = arith.index_cast %scan3A_12 : i32 to index
      %swap3A_36 = arith.constant 16 : index
      %swap3A_37 = tpu.vector_load %arg8[%swap3A_35, %swap3A_36] {strides = array<i32>} : memref<288x64xf32, #tpu.memory_space<vmem>>, vector<1x16xf32>,
      %swap3A_38 = vector.shape_cast %swap3A_37 : vector<1x16xf32> to vector<16xf32>
      %swap3A_39 = vector.shape_cast %add3A_34 : vector<16xf32> to vector<1x16xf32>
      tpu.vector_store %arg8[%swap3A_35, %swap3A_36], %swap3A_39 {strides = array<i32>} : memref<288x64xf32, #tpu.memory_space<vmem>>, vector<1x16xf32>,
      %get3A_40 = arith.index_cast %scan3A_12 : i32 to index
      %get3A_41 = arith.constant 32 : index
      %get3A_42 = tpu.vector_load %arg7[%get3A_40, %get3A_41] {strides = array<i32>} : memref<288x64xf32, #tpu.memory_space<vmem>>, vector<1x16xf32>,
      %get3A_43 = vector.shape_cast %get3A_42 : vector<1x16xf32> to vector<16xf32>
      %get3A_44 = arith.index_cast %scan3A_12 : i32 to index
      %get3A_45 = arith.constant 32 : index
      %get3A_46 = tpu.vector_load %arg8[%get3A_44, %get3A_45] {strides = array<i32>} : memref<288x64xf32, #tpu.memory_space<vmem>>, vector<1x16xf32>,
      %get3A_47 = vector.shape_cast %get3A_46 : vector<1x16xf32> to vector<16xf32>
      %sub3A_48 = arith.subf %get3A_47, %get3A_43 : vector<16xf32>
      %add3A_49 = arith.addf %get3A_43, %sub3A_48 : vector<16xf32>
      %swap3A_50 = arith.index_cast %scan3A_12 : i32 to index
      %swap3A_51 = arith.constant 32 : index
      %swap3A_52 = tpu.vector_load %arg8[%swap3A_50, %swap3A_51] {strides = array<i32>} : memref<288x64xf32, #tpu.memory_space<vmem>>, vector<1x16xf32>,
      %swap3A_53 = vector.shape_cast %swap3A_52 : vector<1x16xf32> to vector<16xf32>
      %swap3A_54 = vector.shape_cast %add3A_49 : vector<16xf32> to vector<1x16xf32>
      tpu.vector_store %arg8[%swap3A_50, %swap3A_51], %swap3A_54 {strides = array<i32>} : memref<288x64xf32, #tpu.memory_space<vmem>>, vector<1x16xf32>,
      %get3A_55 = arith.index_cast %scan3A_12 : i32 to index
      %get3A_56 = arith.constant 48 : index
      %get3A_57 = tpu.vector_load %arg7[%get3A_55, %get3A_56] {strides = array<i32>} : memref<288x64xf32, #tpu.memory_space<vmem>>, vector<1x16xf32>,
      %get3A_58 = vector.shape_cast %get3A_57 : vector<1x16xf32> to vector<16xf32>
      %get3A_59 = arith.index_cast %scan3A_12 : i32 to index
      %get3A_60 = arith.constant 48 : index
      %get3A_61 = tpu.vector_load %arg8[%get3A_59, %get3A_60] {strides = array<i32>} : memref<288x64xf32, #tpu.memory_space<vmem>>, vector<1x16xf32>,
      %get3A_62 = vector.shape_cast %get3A_61 : vector<1x16xf32> to vector<16xf32>
      %sub3A_63 = arith.subf %get3A_62, %get3A_58 : vector<16xf32>
      %add3A_64 = arith.addf %get3A_58, %sub3A_63 : vector<16xf32>
      %swap3A_65 = arith.index_cast %scan3A_12 : i32 to index
      %swap3A_66 = arith.constant 48 : index
      %swap3A_67 = tpu.vector_load %arg8[%swap3A_65, %swap3A_66] {strides = array<i32>} : memref<288x64xf32, #tpu.memory_space<vmem>>, vector<1x16xf32>,
      %swap3A_68 = vector.shape_cast %swap3A_67 : vector<1x16xf32> to vector<16xf32>
      %swap3A_69 = vector.shape_cast %add3A_64 : vector<16xf32> to vector<1x16xf32>
      tpu.vector_store %arg8[%swap3A_65, %swap3A_66], %swap3A_69 {strides = array<i32>} : memref<288x64xf32, #tpu.memory_space<vmem>>, vector<1x16xf32>,
    }
    %scan3A_11 = arith.constant 288 : i32
    "tpu.region"() ({
      %run_scoped3A = tpu.sem_alloc : memref<!tpu.dma_semaphore, #tpu.memory_space<semaphore_mem>>
      %dma_start3A_12 = arith.constant 0 : i32
      %dma_start3A_13 = tpu.memref_slice %arg5[%mul3A_2, %dma_start3A_12] : memref<9216x64xf32, #tpu.memory_space<hbm>> -> memref<288x64xf32, #tpu.memory_space<hbm>>
      %dma_start3A_14 = arith.constant 0 : i32
      %dma_start3A_15 = tpu.memref_slice %arg5[%mul3A_2, %dma_start3A_14] : memref<9216x64xf32, #tpu.memory_space<hbm>> -> memref<288x64xf32, #tpu.memory_space<hbm>>
      tpu.enqueue_dma source(%arg8 : memref<288x64xf32, #tpu.memory_space<vmem>>) target(%dma_start3A_15 : memref<288x64xf32, #tpu.memory_space<hbm>>) target_semaphore(%run_scoped3A : memref<!tpu.dma_semaphore, #tpu.memory_space<semaphore_mem>>)
      %dma_wait3A_16 = arith.constant 0 : i32
      %dma_wait3A_17 = tpu.memref_slice %arg5[%mul3A_2, %dma_wait3A_16] : memref<9216x64xf32, #tpu.memory_space<hbm>> -> memref<288x64xf32, #tpu.memory_space<hbm>>
      %dma_wait3A_18 = arith.constant 0 : i32
      %dma_wait3A_19 = tpu.memref_slice %arg5[%mul3A_2, %dma_wait3A_18] : memref<9216x64xf32, #tpu.memory_space<hbm>> -> memref<288x64xf32, #tpu.memory_space<hbm>>
      tpu.wait_dma2 semaphore(%run_scoped3A : memref<!tpu.dma_semaphore, #tpu.memory_space<semaphore_mem>>) src(%arg8 : memref<288x64xf32, #tpu.memory_space<vmem>>) dst(%dma_wait3A_19 : memref<288x64xf32, #tpu.memory_space<hbm>>)
      tpu.yield
    }) : () -> ()
    return
  }
}

module attributes {stable_mosaic.version = 14 : i64} {
  func.func @_argmin_body(%arg0: i32, %arg1: memref<2304x64xf32, #tpu.memory_space<vmem>>, %arg2: memref<1024x64xf32, #tpu.memory_space<vmem>>, %arg3: memref<1x1x2304xi32, #tpu.memory_space<vmem>>) attributes {dimension_semantics = [#tpu.dimension_semantics<arbitrary>], iteration_bounds = array<i64: 4>, scalar_prefetch = 0 : i64, scratch_operands = 0 : i64, tpu.core_type = #tpu.core_type<tc>, window_params = [{transform_indices = @transform_0, window_bounds = array<i64: 2304, 64>}, {pipeline_mode = #tpu.pipeline_mode<synchronous>, transform_indices = @transform_1, window_bounds = array<i64: 1024, 64>}, {transform_indices = @transform_2, window_bounds = array<i64: 1, 1, 2304>}]} {
    %get3A = arith.constant 0 : index
    %get3A_0 = arith.constant 0 : index
    %get3A_1 = vector.load %arg1[%get3A, %get3A_0] : memref<2304x64xf32, #tpu.memory_space<vmem>>, vector<2304x64xf32>
    %get3A_2 = arith.constant 0 : index
    %get3A_3 = arith.constant 0 : index
    %get3A_4 = vector.load %arg2[%get3A_2, %get3A_3] : memref<1024x64xf32, #tpu.memory_space<vmem>>, vector<1024x64xf32>
    %mul3A = arith.constant -2.000000e+00 : f32
    %mul3A_5 = vector.broadcast %mul3A : f32 to vector<1024x64xf32>
    %mul3A_6 = arith.mulf %get3A_4, %mul3A_5 : vector<1024x64xf32>
    %dot_general3A = arith.constant dense<0.000000e+00> : vector<1024x2304xf32>
    %dot_general3A_7 = tpu.matmul %mul3A_6, %get3A_1, %dot_general3A {dimension_numbers = #tpu.dot_dimension_numbers<[1], [1], [0], [0], [0, 0, 1, 0], [], []>, transpose_lhs_hint = false} : vector<1024x64xf32>, vector<2304x64xf32>, vector<1024x2304xf32> -> vector<1024x2304xf32>
    %mul3A_8 = arith.mulf %get3A_4, %get3A_4 : vector<1024x64xf32>
    %reduce_sum3A = arith.constant dense<0.000000e+00> : vector<1024xf32>
    %reduce_sum3A_9 = vector.multi_reduction <add>, %mul3A_8, %reduce_sum3A [1] : vector<1024x64xf32> to vector<1024xf32>
    %broadcast_in_dim3A = vector.shape_cast %reduce_sum3A_9 : vector<1024xf32> to vector<1024x1xf32>
    %add3A = vector.broadcast %broadcast_in_dim3A : vector<1024x1xf32> to vector<1024x2304xf32>
    %add3A_10 = arith.addf %add3A, %dot_general3A_7 : vector<1024x2304xf32>
    %reduce_min3A = arith.constant dense<0x7F800000> : vector<2304xf32>
    %reduce_min3A_11 = vector.multi_reduction <minimumf>, %add3A_10, %reduce_min3A [0] : vector<1024x2304xf32> to vector<2304xf32>
    %broadcast_in_dim3A_12 = vector.shape_cast %reduce_min3A_11 : vector<2304xf32> to vector<1x2304xf32>
    %iota3A = tpu.iota {dimensions = array<i32: 0>} : vector<1024x2304xi32>
    %eq3A = vector.broadcast %broadcast_in_dim3A_12 : vector<1x2304xf32> to vector<1024x2304xf32>
    %eq3A_13 = arith.cmpf oeq, %add3A_10, %eq3A : vector<1024x2304xf32>
    %jit3A = arith.constant 1024 : i32
    %broadcast_in_dim3A_14 = vector.broadcast %jit3A : i32 to vector<1024x2304xi32>
    %select_n3A = arith.select %eq3A_13, %iota3A, %broadcast_in_dim3A_14 : vector<1024x2304xi1>, vector<1024x2304xi32>
    %reduce_min3A_15 = arith.constant dense<2147483647> : vector<2304xi32>
    %reduce_min3A_16 = vector.multi_reduction <minsi>, %select_n3A, %reduce_min3A_15 [0] : vector<1024x2304xi32> to vector<2304xi32>
    %swap3A = arith.constant 0 : index
    %swap3A_17 = arith.constant 0 : index
    %swap3A_18 = arith.constant 0 : index
    %swap3A_19 = vector.load %arg3[%swap3A, %swap3A_17, %swap3A_18] : memref<1x1x2304xi32, #tpu.memory_space<vmem>>, vector<1x1x2304xi32>
    %swap3A_20 = vector.shape_cast %swap3A_19 : vector<1x1x2304xi32> to vector<2304xi32>
    %swap3A_21 = vector.shape_cast %reduce_min3A_16 : vector<2304xi32> to vector<1x1x2304xi32>
    tpu.vector_store %arg3[%swap3A, %swap3A_17, %swap3A_18], %swap3A_21 {strides = array<i32>} : memref<1x1x2304xi32, #tpu.memory_space<vmem>>, vector<1x1x2304xi32>,
    return
  }
  func.func @transform_0(%arg0: i32) -> (i32, i32) {
    %c0_i32 = arith.constant 0 : i32
    %c0_i32_0 = arith.constant 0 : i32
    return %arg0, %c0_i32 : i32, i32
  }
  func.func @transform_1(%arg0: i32) -> (i32, i32) {
    %c0_i32 = arith.constant 0 : i32
    %c0_i32_0 = arith.constant 0 : i32
    %c0_i32_1 = arith.constant 0 : i32
    return %c0_i32, %c0_i32_0 : i32, i32
  }
  func.func @transform_2(%arg0: i32) -> (i32, i32, i32) {
    %c0_i32 = arith.constant 0 : i32
    %c0_i32_0 = arith.constant 0 : i32
    %c0_i32_1 = arith.constant 0 : i32
    return %arg0, %c0_i32, %c0_i32_0 : i32, i32, i32
  }
}

</mosaic_0001>

<sc_bundles>
// kernel: kernel.4.cloned.1.call-start
scs
__scs_entry_jumppad:
0x0: {  	(pc) =	sbr.rel $0x88, $3  }
0x1: {  	(tag) =	ssettag $0x0;
	lr =	simm.s32 $0x1  }
0x2: {  	[smem:$0x3F9F] =	sst lr;
	_ =	strace $0xD0000000  }
0x3: {  	_ = 	snop  }
0x4: {  	_ = 	snop  }
0x5: {  	_ = 	snop  }
0x6: {  	_ = 	snop  }
0x7: {  	_ = 	snop  }
__scs_overlays_trampoline_lowered:
0x8: {  	[smem:$0x3FAE] =	sst s0  }
0x9: {  	[smem:$0x3FAF] =	sst s1  }
0xa: {  	[smem:$0x3FB0] =	sst s2  }
0xb: {  	[smem:$0x3FB1] =	sst s3  }
0xc: {  	[smem:$0x3FB2] =	sst s4  }
0xd: {  	[smem:$0x3FB3] =	sst s5  }
0xe: {  	[smem:$0x3FB4] =	sst s6  }
0xf: {  	[smem:$0x3FB5] =	sst s7  }
0x10: {  	[smem:$0x3FB6] =	sst s8  }
0x11: {  	[smem:$0x3FB7] =	sst s9;
	s0 =	simm.s32 @!p0 $0x0  }
0x12: {  	s1 =	sld [smem:$0x3F9D];
	s0 =	simm.s32 @p0 $0x1  }
0x13: {  	[smem:$0x3FB8] =	sst s0;
	s0 =	simm.s32 @!p1 $0x0  }
0x14: {  	s2 =	sld [smem:$0x3F9C];
	s0 =	simm.s32 @p1 $0x1  }
0x15: {  	[smem:$0x3FB9] =	sst s0;
	s0 =	simm.s32 @!p2 $0x0  }
0x16: {  	s3 =	sld [smem:$0x3FDB];
	s0 =	simm.s32 @p2 $0x1  }
0x17: {  	s4 =	simm.s32 $0x1BF5;
	[smem:$0x3FBB] =	sst s0  }
0x18: {  	s0 =	sld [smem:$0x3F9E];
	_ =	swait.ge [sflag:s4], $0x0  }
0x19: {  	s7 =	sld [smem:$0x3F9F]  }
0x1a: {  	s8 =	sadd.s32 $0xFFFFE003, lr  }
0x1b: {  	s9 =	sadd.s32 $0xFFFFFEF7, lr;
	s5 =	simm.s32 $0xFFFFFFFF;
	p2 =	slt.u32 s8, $0xFFFFF086  }
0x1c: {  	p1 =	slt.u32 s9, $0xF7A;
	s5 =	simm.s32 @!p2 $0x0  }
0x1d: {  	s5 =	simm.s32 @p1 $0x1;
	p0 =	seq.s32 s7, s2  }
0x1e: {  	s7 =	smul.u32 @!p0 $0xF7A, s2;
	p2 =	seq.s32 @!p0 s5, $0x0  }
0x1f: {  	s9 =	smul.u32 $0xF7A, s1;
	s8 =	simm.s32 @!p0 $0x1BF5;
	p2 =	por !p2, p0  }
0x20: {  	[sflag:s8] =	ssyncset.s32 @!p0 $0xFFFFF086;
	s6 =	sadd.s32 @!p0 s3, s7;
	s7 =	simm.s32 @!p0 $0x108  }
0x21: {  	s3 =	sadd.s32 s3, s9;
	s6 =	sadd.s32 @!p0 $0x88, s6;
	s7 =	simm.s32 @p2 $0x1082  }
0x22: {  	[simem:s7], [sflag:s8] =	dma.local @!p0 [hbm:s6], $0xF7A  }
0x23: {  	s9 =	sor.u32 $0xD0000000, s2;
	s6 =	simm.s32 $0x108;
	_ =	swait.ge @!p0 [sflag:s8], $0x0  }
0x24: {  	s3 =	sadd.s32 $0x88, s3;
	s6 =	simm.s32 @!p1 $0x1082;
	[sflag:s4] =	ssyncset.s32 $0xFFFFF086  }
0x25: {  	[simem:s6], [sflag:s4] =	dma.local [hbm:s3], $0xF7A  }
0x26: {  	[smem:$0x3F9F] =	sst s1;
	(tag) =	ssettag s2;
	_ =	strace s9  }
0x27: {  	s1 =	sld [smem:$0x3FAF]  }
0x28: {  	s2 =	sld [smem:$0x3FB0]  }
0x29: {  	s4 =	sld [smem:$0x3FB2]  }
0x2a: {  	p0 =	seq.s32 s5, $0x0;
	s5 =	sld [smem:$0x3FB3]  }
0x2b: {  	s6 =	sld [smem:$0x3FB4]  }
0x2c: {  	s7 =	sld [smem:$0x3FB5]  }
0x2d: {  	s3 =	simm.s32 $0x108;
	s8 =	sld [smem:$0x3FB6]  }
0x2e: {  	s3 =	simm.s32 @!p0 $0x1082;
	s9 =	sld [smem:$0x3FB7]  }
0x2f: {  	lr =	sadd.s32 s0, s3;
	s0 =	sld [smem:$0x3FAE]  }
0x30: {  	s3 =	sld [smem:$0x3FB1]  }
0x31: {  	[smem:$0x3FBA] =	sst s10  }
0x32: {  	s10 =	sld [smem:$0x3FB8];
	_ =	sdelay $0x3  }
0x33: {  	p0 =	seq.s32 s10, $0x1;
	s10 =	sld [smem:$0x3FBA];
	_ =	sdelay $0x3  }
0x34: {  	[smem:$0x3FBA] =	sst s10  }
0x35: {  	s10 =	sld [smem:$0x3FB9];
	_ =	sdelay $0x3  }
0x36: {  	p1 =	seq.s32 s10, $0x1;
	s10 =	sld [smem:$0x3FBA];
	_ =	sdelay $0x3  }
0x37: {  	[smem:$0x3FBA] =	sst s10  }
0x38: {  	s10 =	sld [smem:$0x3FBB]  }
0x39: {  	_ = 	snop;
	(pc) =	sbr.ind lr, $3  }
0x3a: {  	_ = 	snop  }
0x3b: {  	_ = 	snop  }
0x3c: {  	p2 =	seq.s32 s10, $0x1;
	s10 =	sld [smem:$0x3FBA]  }
0x3d: {  	_ =	shalt  }
0x3e: {  	_ =	shalt  }
0x3f: {  	_ =	shalt  }
0x40: {  	_ =	shalt  }
0x41: {  	_ =	shalt  }
0x42: {  	_ =	shalt  }
0x43: {  	_ =	shalt  }
0x44: {  	_ =	shalt  }
0x45: {  	_ =	shalt  }
0x46: {  	_ =	shalt  }
0x47: {  	_ =	shalt  }
0x48: {  	_ =	shalt  }
0x49: {  	_ =	shalt  }
0x4a: {  	_ =	shalt  }
0x4b: {  	_ =	shalt  }
0x4c: {  	_ =	shalt  }
0x4d: {  	_ =	shalt  }
0x4e: {  	_ =	shalt  }
0x4f: {  	_ =	shalt  }
0x50: {  	_ =	shalt  }
0x51: {  	_ =	shalt  }
0x52: {  	_ =	shalt  }
0x53: {  	_ =	shalt  }
0x54: {  	_ =	shalt  }
0x55: {  	_ =	shalt  }
0x56: {  	_ =	shalt  }
0x57: {  	_ =	shalt  }
0x58: {  	_ =	shalt  }
0x59: {  	_ =	shalt  }
0x5a: {  	_ =	shalt  }
0x5b: {  	_ =	shalt  }
0x5c: {  	_ =	shalt  }
0x5d: {  	_ =	shalt  }
0x5e: {  	_ =	shalt  }
0x5f: {  	_ =	shalt  }
0x60: {  	_ =	shalt  }
0x61: {  	_ =	shalt  }
0x62: {  	_ =	shalt  }
0x63: {  	_ =	shalt  }
0x64: {  	_ =	shalt  }
0x65: {  	_ =	shalt  }
0x66: {  	_ =	shalt  }
0x67: {  	_ =	shalt  }
0x68: {  	_ =	shalt  }
0x69: {  	_ =	shalt  }
0x6a: {  	_ =	shalt  }
0x6b: {  	_ =	shalt  }
0x6c: {  	_ =	shalt  }
0x6d: {  	_ =	shalt  }
0x6e: {  	_ =	shalt  }
0x6f: {  	_ =	shalt  }
0x70: {  	_ =	shalt  }
0x71: {  	_ =	shalt  }
0x72: {  	_ =	shalt  }
0x73: {  	_ =	shalt  }
0x74: {  	_ =	shalt  }
0x75: {  	_ =	shalt  }
0x76: {  	_ =	shalt  }
0x77: {  	_ =	shalt  }
0x78: {  	_ =	shalt  }
0x79: {  	_ =	shalt  }
0x7a: {  	_ =	shalt  }
0x7b: {  	_ =	shalt  }
0x7c: {  	_ =	shalt  }
0x7d: {  	_ =	shalt  }
0x7e: {  	_ =	shalt  }
0x7f: {  	_ =	shalt  }
0x80: {  	_ =	shalt  }
0x81: {  	_ =	shalt  }
0x82: {  	_ =	shalt  }
0x83: {  	_ =	shalt  }
0x84: {  	_ =	shalt  }
0x85: {  	_ =	shalt  }
0x86: {  	_ =	shalt  }
0x87: {  	_ =	shalt  }
.Lfunc_end0:
.L_simem_size_0:
called_computation_lowered:
.L_overlay_start_0:
0x88: {  	s2 =	sld [smem:$0x3FD9]  }
0x89: {  	s3 =	sld [smem:$0x3FFE];
	_ =	sdelay $0x1  }
0x8a: {  	s1 =	srdreg.scid  }
0x8b: {  	s0 =	sand.u32 $0x1, s1  }
0x8c: {  	s17 =	sshll.u32 s0, $0xA;
	s2 =	sadd.s32 s3, s2  }
0x8d: {  	s2 =	sadd.s32 s2, s17  }
0x8e: {  	[smem:$0x3FC6] =	sst s2  }
0x8f: {  	_ = 	snop  }
0x90: {  	s2 =	sld [smem:$0x3FD0];
	(tm) =	ssettm $0x1  }
0x91: {  	s18 =	sld [smem:$0x3FFB];
	_ =	sdelay $0x3  }
0x92: {  	_ =	strace s18  }
0x93: {  	s3 =	sld [smem:$0x3FFC];
	_ =	sdelay $0x3  }
0x94: {  	_ =	strace s3  }
0x95: {  	s3 =	sld [smem:$0x3FFD];
	_ =	sdelay $0x3  }
0x96: {  	_ =	strace s3  }
0x97: {  	_ =	strace $0x8FFFFFFF  }
0x98: {  	s19 =	sld [smem:$0x3FDB];
	_ =	sdelay $0x1  }
0x99: {  	s4 =	simm.s32 $_scs_section_size  }
0x9a: {  	s5 =	simm.s32 $_size__tile_overlayer_lowered;
	s6 =	simm.s32 $_tile_overlayer_lowered  }
0x9b: {  	s22 =	simm.s32 $0x1BFF;
	s21 =	sshll.u32 s6, $0x1;
	s3 =	sadd.s32 s4, s19  }
0x9c: {  	s7 =	simm.s32 $0x0;
	s20 =	sshll.u32 s5, $0x1;
	s5 =	sadd.s32 s21, s3  }
0x9d: {  	[timem:s7], [sflag:s22] =	dma.local [hbm:s5], s20  }
0x9e: {  	_ =	swait.ge [sflag:s22], s20  }
0x9f: {  	s4 =	ssub.s32 $0x0, s20;
	[sflag:s22] =	ssyncset.done $0x0  }
0xa0: {  	[sflag:s22] =	ssyncadd.s32 s4;
	_ =	sdelay $0x1  }
0xa1: {  	s23 =	simm.s32 $0x1B8B  }
0xa2: {  	_ =	swait.ge [sflag:s23], $0x1  }
0xa3: {  	[sflag:s23] =	ssyncset.done $0x0  }
0xa4: {  	s25 =	simm.s32 $0x1B8E;
	s24 =	sld [smem:$0x3FFE];
	[sflag:s23] =	ssyncadd.s32 $0xFFFFFFFF  }
0xa5: {  	s26 =	simm.s32 $execute0_lowered;
	[smem:$0x3FD2] =	sst s25  }
0xa6: {  	s5 =	sshll.u32 s26, $0x1;
	_ =	strace $0x80000046;
	[dreg:$0x1] =	wrdreg $0xFFFFFFFF  }
0xa7: {  	s28 =	simm.s32 $_size_execute0_lowered;
	s3 =	sadd.s32 s3, s5;
	[dreg:$0x0] =	wrdreg $0x0  }
0xa8: {  	s5 =	sshll.u32 s28, $0x1;
	[dreg:$0x2] =	wrdreg s3  }
0xa9: {  	[dreg:$0x3] =	wrdreg s5  }
0xaa: {  	[dreg:$0x4] =	wrdreg $0xC0  }
0xab: {  	_ =	task [dreg:s7], $0x5FFFF  }
0xac: {  	[dreg:$0x1] =	wrdreg $0xFFFFFFFF  }
0xad: {  	[dreg:$0x0] =	wrdreg $0x60  }
0xae: {  	[dreg:$0x2] =	wrdreg s2  }
0xaf: {  	[dreg:$0x3] =	wrdreg s24  }
0xb0: {  	[dreg:$0x4] =	wrdreg $0x9  }
0xb1: {  	_ =	task.clear_ibuf [dreg:s7], $0x5FFFF;
	_ =	strace $0x90000046  }
0xb2: {  	s29 =	simm.s32 $0x9;
	_ =	strace $0x80000048  }
0xb3: {  	_ =	swait.ge [sflag:s29], $0x1  }
0xb4: {  	[sflag:s29] =	ssyncadd.s32 $0xFFFFFFFF  }
0xb5: {  	_ =	strace $0x90000048  }
0xb6: {  	_ =	sfence  }
0xb7: {  	s30 =	sld [smem:$0x0];
	_ =	sdelay $0x2  }
0xb8: {  	s31 =	sshll.u32 s1, $0xD;
	s1 =	sshrl.u32 s1, $0x2  }
0xb9: {  	s3 =	sand.u32 $0x4000, s31;
	s1 =	sadd.s32 s1, s30  }
0xba: {  	s0 =	sor.u32 s3, s0;
	s1 =	sshll.u32 s1, $0x11  }
0xbb: {  	s0 =	sor.u32 s1, s0  }
0xbc: {  	s0 =	sadd.s32 $0x8F2B, s0  }
0xbd: {  	[sflag:s0] =	ssyncadd.remote.s32 $0x1  }
0xbe: {  	_ =	sfence.sel $0xFFFF  }
0xbf: {  	[dreg:$0x0] =	wrdreg $0xFFFFFFFF;
	(pc) =	sbr.abs _section_cstart, $3  }
0xc0: {  	[dreg:$0x1] =	wrdreg $0xFFFFFFFF  }
0xc1: {  	_ =	task.clear_ibuf [dreg:s7], $0x2FFFF;
	_ =	strace $0x9FFFFFFF  }
0xc2: {  	(tm) =	ssettm $0x7FFFFFFF  }
0xc3: {  	_ =	shalt  }
tec
execute0_lowered:
.L_overlay_start_1:
0x0: {  	(tag) =	ssettag $0x1  }
0x1: {  	s1 =	srdreg.scid;
	s5 =	rddreg [dreg:$0x0]  }
0x2: {  	s0 =	stileid.u32;
	s4 =	rddreg [dreg:$0x1]  }
0x3: {  	s2 =	simm.s32 $0x0;
	s3 =	sand.u32 $0x1, s1;
	s31 =	sshll.u32 s0, $0x1  }
0x4: {  	s11 =	simm.s32 $0x1;
	s12 =	simm.s32 $0x0;
	s6 =	sor.u32 s3, s31  }
0x5: {  	s1 =	rddreg [dreg:$0x2];
	s8 =	ssub.s32 $0x2, s3;
	s7 =	smul.u32 $0x24, s6  }
0x6: {  	[smem:$0x7FF] =	sst s2;
	s6 =	smul.u32 $0x900, s6;
	s9 =	sshrl.u32 s8, $0x1  }
0x7: {  	_ =	strace $0x80000047;
	s3 =	sadd.s32 $0x600, s4;
	s8 =	ssub.s32 s8, s9  }
0x8: {  	s9 =	simm.s32 $0x120;
	s7 =	sadd.s32 s7, s4;
	s10 =	sadd.s32 s6, s4  }
0x9: {  	s5 =	sadd.s32 s5, s6;
	s4 =	sadd.s32 $0x2600, s7;
	s6 =	sadd.s32 $0x2C00, s10  }
0xa: {  	s7 =	smax.u32 s8, $0x1;
	s8 =	simm.s32 $0x2;
	s10 =	simm.s32 $0x4920  }
.LBB2_1:
0xb: {  	[tilespmem:s2], [sflag:$0x2] =	stream.linear.gather [hbm4b:s4+s2], $0x120, $0x38;
	[tilespmem:$0x9120] =	vst v63  }
0xc: {  	_ =	swait.ge [sflag:s8], $0x120  }
0xd: {  	[sflag:s8] =	ssyncset.done $0x0  }
0xe: {  	[sflag:s8] =	ssyncadd.s32 $0xFFFFFEE0  }
0xf: {  	[tilespmem:s9], [sflag:$0x1] =	stream.indirect.gather [hbm4b:s3+s9], $0x40, s2, s9, $0xb8;
	[tilespmem:$0x9120] =	vst v63  }
0x10: {  	_ = 	snop  }
0x11: {  	[tilespmem:s10], [sflag:$0x2] =	stream.linear.gather [hbm4b:s5+s2], $0x4800, $0x38;
	[tilespmem:$0x9120] =	vst v63  }
0x12: {  	_ =	swait.ge [sflag:s8], $0x4800  }
0x13: {  	[sflag:s8] =	ssyncset.done $0x0  }
0x14: {  	[sflag:s8] =	ssyncadd.s32 $0xFFFFB800  }
0x15: {  	_ =	swait.ge [sflag:s11], $0x4800  }
0x16: {  	[sflag:s11] =	ssyncset.done $0x0  }
0x17: {  	s13 =	simm.s32 $0x0;
	[sflag:s11] =	ssyncadd.s32 $0xFFFFB800  }
0x18: {  	v2 =	vld [tilespmem:s13+$0x120]  }
0x19: {  	v3 =	vld [tilespmem:s13+$0x130]  }
0x1a: {  	v0 =	vld [tilespmem:s13+$0x140]  }
0x1b: {  	v1 =	vld [tilespmem:s13+$0x150]  }
0x1c: {  	v4 =	vld [tilespmem:s13+$0x4920]  }
0x1d: {  	v6 =	vld [tilespmem:s13+$0x4930]  }
0x1e: {  	s14 =	simm.s32 $0x100;
	v5 =	vld [tilespmem:s13+$0x4940]  }
.LBB2_2:
0x1f: {  	p0 =	sne.s32 s14, $0x11F00;
	v7 =	vld [tilespmem:s13+$0x4950];
	v8 =	vmov v0  }
0x20: {  	v9 =	vmov v1  }
0x21: {  	s15 =	sshra.s32 s14, $0x2;
	v0 =	vsub.f32 v4, v2  }
0x22: {  	v10 =	vld [tilespmem:s15+$0x120];
	v1 =	vsub.f32 v6, v3  }
0x23: {  	v11 =	vld [tilespmem:s15+$0x130];
	v2 =	vadd.f32 v0, v2;
	v4 =	vsub.f32 v5, v8  }
.Ltmp0:
0x24: {  	v0 =	vld [tilespmem:s15+$0x140];
	v3 =	vadd.f32 v1, v3;
	v5 =	vsub.f32 v7, v9;
	(pc) =	sbr.rel @p0 .LBB2_2-.Ltmp0, $4  }
0x25: {  	v1 =	vld [tilespmem:s15+$0x150];
	[tilespmem:s13+$0x4920] =	vst v2;
	v7 =	vadd.f32 v4, v8  }
0x26: {  	v4 =	vld [tilespmem:s15+$0x4920];
	[tilespmem:s13+$0x4930] =	vst v3;
	v8 =	vadd.f32 v5, v9  }
0x27: {  	v6 =	vld [tilespmem:s15+$0x4930];
	[tilespmem:s13+$0x4940] =	vst v7;
	v2 =	vmov v10  }
0x28: {  	s14 =	sadd.s32 $0x100, s14;
	v5 =	vld [tilespmem:s15+$0x4940];
	[tilespmem:s13+$0x4950] =	vst v8;
	v3 =	vmov v11;
	s13 =	smov.u32 s15  }
0x29: {  	v7 =	vld [tilespmem:s13+$0x4950];
	_ =	sdelay $0x1  }
0x2a: {  	v4 =	vsub.f32 v4, v2  }
0x2b: {  	v6 =	vsub.f32 v6, v3  }
0x2c: {  	v2 =	vadd.f32 v4, v2;
	v62 =	vsub.f32 v5, v0  }
0x2d: {  	v3 =	vadd.f32 v6, v3;
	v63 =	vsub.f32 v7, v1  }
0x2e: {  	[tilespmem:s13+$0x4920] =	vst v2;
	v0 =	vadd.f32 v62, v0  }
0x2f: {  	s12 =	sadd.s32 $0x1, s12;
	[tilespmem:s13+$0x4930] =	vst v3;
	v1 =	vadd.f32 v63, v1  }
0x30: {  	p0 =	sne.s32 s12, s7;
	[tilespmem:s13+$0x4940] =	vst v0  }
.Ltmp1:
0x31: {  	[tilespmem:s13+$0x4950] =	vst v1;
	(pc) =	sbr.rel @p0 .LBB2_1-.Ltmp1, $4  }
0x32: {  	[hbm4b:s6+s2] =	stream.linear.scatter [tilespmem:s10], [sflag:$0x2], $0x4800, $0x38;
	[tilespmem:$0x9120] =	vst v63  }
0x33: {  	_ =	swait.ge [sflag:s8], $0x4800  }
0x34: {  	[sflag:s8] =	ssyncset.done $0x0  }
0x35: {  	[sflag:s8] =	ssyncadd.s32 $0xFFFFB800  }
0x36: {  	_ =	sfence.sel $0x180000  }
0x37: {  	[bflag:$0x0] =	sbarrier.arrive $0xFFFF  }
0x38: {  	p0 =	sne.s32 s0, $0x0;
	_ =	strace $0x90000047  }
0x39: {  	s0 =	sadd.s32 @!p0 $0x100000, s1;
	[bflag:$0x2] =	sbarrier.arrive $0xFFFF  }
0x3a: {  	[sflag:s0] =	ssyncadd.tile.s32 @!p0 $0x1;
	_ =	shalt  }
.Lfunc_end2:
_tile_overlayer_lowered:
.L_overlay_start_2:
0x3b: {  	(tag) =	ssettag $0x2  }
0x3c: {  	s0 =	rddreg [dreg:$0x0];
	s2 =	stileid.u32  }
0x3d: {  	s1 =	rddreg [dreg:$0x1];
	p0 =	sne.s32 s2, $0x0  }
0x3e: {  	s3 =	rddreg [dreg:$0x2];
	[bflag:$0x3] =	sbarrier.arrive $0xFFFF;
	s2 =	simm.s32 @!p0 $0x1C02  }
0x3f: {  	[timem:s3], [sflag:s2] =	dma.local @!p0 [hbm:s0], s1  }
0x40: {  	s0 =	simm.s32 @!p0 $0x2  }
0x41: {  	_ =	swait.ge @!p0 [sflag:s0], s1  }
0x42: {  	s1 =	ssub.s32 @!p0 $0x0, s1;
	[sflag:s0] =	ssyncset.done @!p0 $0x0  }
0x43: {  	[sflag:s0] =	ssyncadd.s32 @!p0 s1  }
0x44: {  	[bflag:$0x3] =	sbarrier.arrive $0xFFFF  }
0x45: {  	_ =	shalt  }

</sc_bundles>
